<compile_context>
chip_gen: v7x
topology: tpu7x:2x2x1
jax: 0.10.2.dev20260603
libtpu: 0.0.44.dev20260713+nightly
codegen_flags: <defaults>
</compile_context>

<pallas_src>
import jax
import jax.numpy as jnp
from jax import lax
from jax.experimental import pallas as pl
from jax.experimental.pallas import tpu as pltpu
from jax.experimental.pallas import tpu_sc as plsc

NUM_TOKENS = 8192
D_MODEL = 32
BATCH = 1024

CHUNK = 1024
G = NUM_TOKENS // CHUNK

_NC = 2
_NS = 16
_NW = _NC * _NS
_BPW = BATCH // _NW


def _hi(v):
    return v.astype(jnp.bfloat16).astype(jnp.float32)


def _argmin_body(x_ref, cb_ref, idx_ref):
    x = x_ref[...]
    cb = cb_ref[...]
    row_iota = lax.broadcasted_iota(jnp.int32, (CHUNK, BATCH), 0)
    ones_d1 = jnp.ones((D_MODEL, 1), jnp.float32)
    ones_b1 = jnp.ones((BATCH, 1), jnp.float32)

    cn = lax.dot_general(cb * cb, ones_d1, (((1,), (0,)), ((), ())),
                         precision=lax.Precision.HIGHEST,
                         preferred_element_type=jnp.float32)
    m2c = -2.0 * cb
    m2ch = _hi(m2c)
    m2cl = m2c - m2ch
    cnh = _hi(cn)
    cnl = cn - cnh
    cb_ext = jnp.concatenate([m2ch, m2ch, m2cl, cnh, cnl], axis=1)

    xh = _hi(x)
    xl = x - xh
    x_ext = jnp.concatenate([xh, xl, xh, ones_b1, ones_b1], axis=1)

    s_all = lax.dot_general(cb_ext, x_ext, (((1,), (1,)), ((), ())),
                            preferred_element_type=jnp.float32)

    best_val = jnp.full((1, BATCH), jnp.inf, jnp.float32)
    best_idx = jnp.zeros((1, BATCH), jnp.int32)
    for t in range(G):
        s = s_all[t * CHUNK:(t + 1) * CHUNK, :]
        m = jnp.min(s, axis=0, keepdims=True)
        im = jnp.min(jnp.where(s == m, row_iota, jnp.int32(NUM_TOKENS)),
                     axis=0, keepdims=True) + t * CHUNK
        take = m < best_val
        best_val = jnp.where(take, m, best_val)
        best_idx = jnp.where(take, im, best_idx)
    idx_ref[...] = best_idx


def _gather_body(table_hbm, idx_hbm, out_hbm, idx_v, rows_v, sem):
    wid = lax.axis_index("s") * _NC + lax.axis_index("c")
    base = wid * _BPW
    pltpu.sync_copy(idx_hbm.at[0, pl.ds(base, _BPW)], idx_v)
    pltpu.async_copy(table_hbm.at[idx_v], rows_v, sem).wait()
    pltpu.sync_copy(rows_v, out_hbm.at[pl.ds(base, _BPW)])


def kernel(x, codebook, embed_table):
    argmin_call = pl.pallas_call(
        _argmin_body,
        out_shape=jax.ShapeDtypeStruct((1, BATCH), jnp.int32),
    )
    gather_call = pl.kernel(
        _gather_body,
        out_type=jax.ShapeDtypeStruct((BATCH, D_MODEL), jnp.float32),
        mesh=plsc.VectorSubcoreMesh(core_axis_name="c", subcore_axis_name="s"),
        scratch_types=[
            pltpu.VMEM((_BPW,), jnp.int32),
            pltpu.VMEM((_BPW, D_MODEL), jnp.float32),
            pltpu.SemaphoreType.DMA,
        ],
        compiler_params=pltpu.CompilerParams(use_tc_tiling_on_sc=False),
    )
    idx = argmin_call(x, codebook)
    return gather_call(embed_table, idx)

# --- scband reference (transcript-rebuilt; emitter-appended) ---
"""Pipeline reference for scband-audio-quantizer-23132693856659 (READ-ONLY COPY).

The authoritative reference and input builder live on the scoring server;
editing this copy changes nothing except your own understanding.
"""

import jax, jax.numpy as jnp
import numpy as np

NUM_TOKENS = 8192
D_MODEL = 32
BATCH = 1024


def setup_inputs(seed: int = 0) -> dict:
    key = jax.random.key(seed)
    k1, k2, k3 = jax.random.split(key, 3)
    x = jax.random.normal(k1, (BATCH, D_MODEL), dtype=jnp.float32)
    # codebook: GlorotUniform over (num_tokens, d_model)
    limit = float(np.sqrt(6.0 / (NUM_TOKENS + D_MODEL)))
    codebook = jax.random.uniform(k2, (NUM_TOKENS, D_MODEL), dtype=jnp.float32, minval=-limit, maxval=limit)
    # keras Embedding default init: uniform(-0.05, 0.05)
    embed_table = jax.random.uniform(k3, (NUM_TOKENS, D_MODEL), dtype=jnp.float32, minval=-0.05, maxval=0.05)
    return {"x": x, "codebook": codebook, "embed_table": embed_table}


def reference(x, codebook, embed_table):
    # distances = ||x[:, None, :] - codebook[None, :, :]||_2  -> [B, K]
    diff = jnp.expand_dims(x, 1) - codebook  # [B, K, D]
    distances = jnp.linalg.norm(diff, axis=-1)  # [B, K]
    indices = jnp.argmin(distances, axis=-1)  # [B]
    out = jnp.take(embed_table, indices, axis=0)  # [B, D]
    return out

if __name__ == "__main__":
    import jax
    _d = setup_inputs()
    print(jax.jit(kernel)(*tuple(_d.values())))

</pallas_src>

<mosaic_0001>
#map = affine_map<(d0, d1) -> (0, 0)>
module attributes {stable_mosaic.version = 14 : i64} {
  func.func @_gather_body(%arg0: i32, %arg1: i32, %arg2: memref<8192x32xf32, #tpu.memory_space<hbm>>, %arg3: memref<1x1024xi32, #tpu.memory_space<hbm>>, %arg4: memref<1024x32xf32, #tpu.memory_space<hbm>>, %arg5: memref<32xi32, #tpu.memory_space<vmem>>, %arg6: memref<32x32xf32, #tpu.memory_space<vmem>>, %arg7: memref<!tpu.dma_semaphore, #tpu.memory_space<semaphore_mem>>) attributes {dimension_semantics = [#tpu.dimension_semantics<core_parallel>, #tpu.dimension_semantics<subcore_parallel>], iteration_bounds = array<i64: 2, 16>, scalar_prefetch = 0 : i64, scratch_operands = 3 : i64, tpu.core_type = #tpu.core_type<sc_vector_subcore>, window_params = [{transform_indices = #map}, {transform_indices = #map}, {transform_indices = #map}]} {
    %mul3A = arith.constant 2 : i32
    %mul3A_0 = arith.muli %arg1, %mul3A : i32
    %add3A = arith.addi %mul3A_0, %arg0 : i32
    %mul3A_1 = arith.constant 32 : i32
    %mul3A_2 = arith.muli %add3A, %mul3A_1 : i32
    %run_scoped3A = arith.constant 0 : i32
    "tpu.region"() ({
      %run_scoped3A_7 = tpu.sem_alloc : memref<!tpu.dma_semaphore, #tpu.memory_space<semaphore_mem>>
      %dma_start3A_8 = tpu.memref_slice %arg3[%run_scoped3A, %mul3A_2] : memref<1x1024xi32, #tpu.memory_space<hbm>> -> memref<1x32xi32, #tpu.memory_space<hbm>>
      %dma_start3A_9 = tpu.memref_squeeze %dma_start3A_8 : memref<1x32xi32, #tpu.memory_space<hbm>> -> memref<32xi32, #tpu.memory_space<hbm>>
      %dma_start3A_10 = tpu.memref_slice %arg3[%run_scoped3A, %mul3A_2] : memref<1x1024xi32, #tpu.memory_space<hbm>> -> memref<1x32xi32, #tpu.memory_space<hbm>>
      %dma_start3A_11 = tpu.memref_squeeze %dma_start3A_10 : memref<1x32xi32, #tpu.memory_space<hbm>> -> memref<32xi32, #tpu.memory_space<hbm>>
      tpu.enqueue_dma source(%dma_start3A_11 : memref<32xi32, #tpu.memory_space<hbm>>) target(%arg5 : memref<32xi32, #tpu.memory_space<vmem>>) target_semaphore(%run_scoped3A_7 : memref<!tpu.dma_semaphore, #tpu.memory_space<semaphore_mem>>)
      %dma_wait3A_12 = tpu.memref_slice %arg3[%run_scoped3A, %mul3A_2] : memref<1x1024xi32, #tpu.memory_space<hbm>> -> memref<1x32xi32, #tpu.memory_space<hbm>>
      %dma_wait3A_13 = tpu.memref_squeeze %dma_wait3A_12 : memref<1x32xi32, #tpu.memory_space<hbm>> -> memref<32xi32, #tpu.memory_space<hbm>>
      %dma_wait3A_14 = tpu.memref_slice %arg3[%run_scoped3A, %mul3A_2] : memref<1x1024xi32, #tpu.memory_space<hbm>> -> memref<1x32xi32, #tpu.memory_space<hbm>>
      %dma_wait3A_15 = tpu.memref_squeeze %dma_wait3A_14 : memref<1x32xi32, #tpu.memory_space<hbm>> -> memref<32xi32, #tpu.memory_space<hbm>>
      tpu.wait_dma2 semaphore(%run_scoped3A_7 : memref<!tpu.dma_semaphore, #tpu.memory_space<semaphore_mem>>) src(%dma_wait3A_15 : memref<32xi32, #tpu.memory_space<hbm>>) dst(%arg5 : memref<32xi32, #tpu.memory_space<vmem>>)
      tpu.yield
    }) : () -> ()
    %dma_start3A = arith.constant 0 : i32
    %dma_start3A_3 = arith.constant 0 : i32
    %dma_start3A_4 = tpu.memref_slice %arg2[%dma_start3A, %dma_start3A_3] : memref<8192x32xf32, #tpu.memory_space<hbm>> -> memref<8192x32xf32, #tpu.memory_space<hbm>>
    tpu.enqueue_indirect_dma source(%dma_start3A_4 : memref<8192x32xf32, #tpu.memory_space<hbm>>) target(%arg6 : memref<32x32xf32, #tpu.memory_space<vmem>>) offsets(%arg5 : memref<32xi32, #tpu.memory_space<vmem>>) semaphore(%arg7 : memref<!tpu.dma_semaphore, #tpu.memory_space<semaphore_mem>>)
    %dma_wait3A = arith.constant 0 : i32
    %dma_wait3A_5 = arith.constant 0 : i32
    %dma_wait3A_6 = tpu.memref_slice %arg2[%dma_wait3A, %dma_wait3A_5] : memref<8192x32xf32, #tpu.memory_space<hbm>> -> memref<8192x32xf32, #tpu.memory_space<hbm>>
    tpu.wait_indirect_dma semaphore(%arg7 : memref<!tpu.dma_semaphore, #tpu.memory_space<semaphore_mem>>) src(%dma_wait3A_6 : memref<8192x32xf32, #tpu.memory_space<hbm>>) dst(%arg6 : memref<32x32xf32, #tpu.memory_space<vmem>>)
    "tpu.region"() ({
      %run_scoped3A_7 = tpu.sem_alloc : memref<!tpu.dma_semaphore, #tpu.memory_space<semaphore_mem>>
      %dma_start3A_8 = arith.constant 0 : i32
      %dma_start3A_9 = tpu.memref_slice %arg4[%mul3A_2, %dma_start3A_8] : memref<1024x32xf32, #tpu.memory_space<hbm>> -> memref<32x32xf32, #tpu.memory_space<hbm>>
      %dma_start3A_10 = arith.constant 0 : i32
      %dma_start3A_11 = tpu.memref_slice %arg4[%mul3A_2, %dma_start3A_10] : memref<1024x32xf32, #tpu.memory_space<hbm>> -> memref<32x32xf32, #tpu.memory_space<hbm>>
      tpu.enqueue_dma source(%arg6 : memref<32x32xf32, #tpu.memory_space<vmem>>) target(%dma_start3A_11 : memref<32x32xf32, #tpu.memory_space<hbm>>) target_semaphore(%run_scoped3A_7 : memref<!tpu.dma_semaphore, #tpu.memory_space<semaphore_mem>>)
      %dma_wait3A_12 = arith.constant 0 : i32
      %dma_wait3A_13 = tpu.memref_slice %arg4[%mul3A_2, %dma_wait3A_12] : memref<1024x32xf32, #tpu.memory_space<hbm>> -> memref<32x32xf32, #tpu.memory_space<hbm>>
      %dma_wait3A_14 = arith.constant 0 : i32
      %dma_wait3A_15 = tpu.memref_slice %arg4[%mul3A_2, %dma_wait3A_14] : memref<1024x32xf32, #tpu.memory_space<hbm>> -> memref<32x32xf32, #tpu.memory_space<hbm>>
      tpu.wait_dma2 semaphore(%run_scoped3A_7 : memref<!tpu.dma_semaphore, #tpu.memory_space<semaphore_mem>>) src(%arg6 : memref<32x32xf32, #tpu.memory_space<vmem>>) dst(%dma_wait3A_15 : memref<32x32xf32, #tpu.memory_space<hbm>>)
      tpu.yield
    }) : () -> ()
    return
  }
}

module attributes {stable_mosaic.version = 14 : i64} {
  func.func @_argmin_body(%arg0: memref<1024x32xf32, #tpu.memory_space<vmem>>, %arg1: memref<8192x32xf32, #tpu.memory_space<vmem>>, %arg2: memref<1x1024xi32, #tpu.memory_space<vmem>>) attributes {dimension_semantics = [], scalar_prefetch = 0 : i64, scratch_operands = 0 : i64, tpu.core_type = #tpu.core_type<tc>} {
    %get3A = arith.constant 0 : index
    %get3A_0 = arith.constant 0 : index
    %get3A_1 = vector.load %arg0[%get3A, %get3A_0] : memref<1024x32xf32, #tpu.memory_space<vmem>>, vector<1024x32xf32>
    %get3A_2 = arith.constant 0 : index
    %get3A_3 = arith.constant 0 : index
    %get3A_4 = vector.load %arg1[%get3A_2, %get3A_3] : memref<8192x32xf32, #tpu.memory_space<vmem>>, vector<8192x32xf32>
    %iota3A = tpu.iota {dimensions = array<i32: 0>} : vector<1024x1024xi32>
    %broadcast_in_dim3A = arith.constant 1.000000e+00 : f32
    %broadcast_in_dim3A_5 = vector.broadcast %broadcast_in_dim3A : f32 to vector<32x1xf32>
    %broadcast_in_dim3A_6 = arith.constant 1.000000e+00 : f32
    %broadcast_in_dim3A_7 = vector.broadcast %broadcast_in_dim3A_6 : f32 to vector<1024x1xf32>
    %mul3A = arith.mulf %get3A_4, %get3A_4 : vector<8192x32xf32>
    %dot_general3A = arith.constant dense<0.000000e+00> : vector<8192x1xf32>
    %dot_general3A_8 = tpu.matmul %mul3A, %broadcast_in_dim3A_5, %dot_general3A {dimension_numbers = #tpu.dot_dimension_numbers<[1], [0], [0], [1], [0, 0, 1, 1], [], []>, precision = #tpu.contract_precision<fp32>, transpose_lhs_hint = false} : vector<8192x32xf32>, vector<32x1xf32>, vector<8192x1xf32> -> vector<8192x1xf32>
    %mul3A_9 = arith.constant -2.000000e+00 : f32
    %mul3A_10 = vector.broadcast %mul3A_9 : f32 to vector<8192x32xf32>
    %mul3A_11 = arith.mulf %mul3A_10, %get3A_4 : vector<8192x32xf32>
    %convert_element_type3A = arith.truncf %mul3A_11 : vector<8192x32xf32> to vector<8192x32xbf16>
    %convert_element_type3A_12 = arith.extf %convert_element_type3A : vector<8192x32xbf16> to vector<8192x32xf32>
    %sub3A = arith.subf %mul3A_11, %convert_element_type3A_12 : vector<8192x32xf32>
    %convert_element_type3A_13 = arith.truncf %dot_general3A_8 : vector<8192x1xf32> to vector<8192x1xbf16>
    %convert_element_type3A_14 = arith.extf %convert_element_type3A_13 : vector<8192x1xbf16> to vector<8192x1xf32>
    %sub3A_15 = arith.subf %dot_general3A_8, %convert_element_type3A_14 : vector<8192x1xf32>
    %concatenate3A = tpu.concatenate %convert_element_type3A_12, %convert_element_type3A_12, %sub3A, %convert_element_type3A_14, %sub3A_15 in 1 : vector<8192x32xf32>, vector<8192x32xf32>, vector<8192x32xf32>, vector<8192x1xf32>, vector<8192x1xf32> -> vector<8192x98xf32>
    %convert_element_type3A_16 = arith.truncf %get3A_1 : vector<1024x32xf32> to vector<1024x32xbf16>
    %convert_element_type3A_17 = arith.extf %convert_element_type3A_16 : vector<1024x32xbf16> to vector<1024x32xf32>
    %sub3A_18 = arith.subf %get3A_1, %convert_element_type3A_17 : vector<1024x32xf32>
    %concatenate3A_19 = tpu.concatenate %convert_element_type3A_17, %sub3A_18, %convert_element_type3A_17, %broadcast_in_dim3A_7, %broadcast_in_dim3A_7 in 1 : vector<1024x32xf32>, vector<1024x32xf32>, vector<1024x32xf32>, vector<1024x1xf32>, vector<1024x1xf32> -> vector<1024x98xf32>
    %dot_general3A_20 = arith.constant dense<0.000000e+00> : vector<8192x1024xf32>
    %dot_general3A_21 = tpu.matmul %concatenate3A, %concatenate3A_19, %dot_general3A_20 {dimension_numbers = #tpu.dot_dimension_numbers<[1], [1], [0], [0], [0, 0, 1, 0], [], []>, transpose_lhs_hint = false} : vector<8192x98xf32>, vector<1024x98xf32>, vector<8192x1024xf32> -> vector<8192x1024xf32>
    %broadcast_in_dim3A_22 = arith.constant 0x7F800000 : f32
    %broadcast_in_dim3A_23 = vector.broadcast %broadcast_in_dim3A_22 : f32 to vector<1x1024xf32>
    %broadcast_in_dim3A_24 = arith.constant 0 : i32
    %broadcast_in_dim3A_25 = vector.broadcast %broadcast_in_dim3A_24 : i32 to vector<1x1024xi32>
    %slice3A = vector.extract_strided_slice %dot_general3A_21 {offsets = [0, 0], sizes = [1024, 1024], strides = [1, 1]} : vector<8192x1024xf32> to vector<1024x1024xf32>
    %reduce_min3A = arith.constant dense<0x7F800000> : vector<1024xf32>
    %reduce_min3A_26 = vector.multi_reduction <minimumf>, %slice3A, %reduce_min3A [0] : vector<1024x1024xf32> to vector<1024xf32>
    %broadcast_in_dim3A_27 = vector.shape_cast %reduce_min3A_26 : vector<1024xf32> to vector<1x1024xf32>
    %eq3A = vector.broadcast %broadcast_in_dim3A_27 : vector<1x1024xf32> to vector<1024x1024xf32>
    %eq3A_28 = arith.cmpf oeq, %slice3A, %eq3A : vector<1024x1024xf32>
    %jit3A = arith.constant 8192 : i32
    %broadcast_in_dim3A_29 = vector.broadcast %jit3A : i32 to vector<1024x1024xi32>
    %select_n3A = arith.select %eq3A_28, %iota3A, %broadcast_in_dim3A_29 : vector<1024x1024xi1>, vector<1024x1024xi32>
    %reduce_min3A_30 = arith.constant dense<2147483647> : vector<1024xi32>
    %reduce_min3A_31 = vector.multi_reduction <minsi>, %select_n3A, %reduce_min3A_30 [0] : vector<1024x1024xi32> to vector<1024xi32>
    %broadcast_in_dim3A_32 = vector.shape_cast %reduce_min3A_31 : vector<1024xi32> to vector<1x1024xi32>
    %add3A = arith.constant 0 : i32
    %add3A_33 = vector.broadcast %add3A : i32 to vector<1x1024xi32>
    %add3A_34 = arith.addi %broadcast_in_dim3A_32, %add3A_33 : vector<1x1024xi32>
    %lt3A = arith.cmpf olt, %broadcast_in_dim3A_27, %broadcast_in_dim3A_23 : vector<1x1024xf32>
    %select_n3A_35 = arith.select %lt3A, %broadcast_in_dim3A_27, %broadcast_in_dim3A_23 : vector<1x1024xi1>, vector<1x1024xf32>
    %select_n3A_36 = arith.select %lt3A, %add3A_34, %broadcast_in_dim3A_25 : vector<1x1024xi1>, vector<1x1024xi32>
    %slice3A_37 = vector.extract_strided_slice %dot_general3A_21 {offsets = [1024, 0], sizes = [1024, 1024], strides = [1, 1]} : vector<8192x1024xf32> to vector<1024x1024xf32>
    %reduce_min3A_38 = arith.constant dense<0x7F800000> : vector<1024xf32>
    %reduce_min3A_39 = vector.multi_reduction <minimumf>, %slice3A_37, %reduce_min3A_38 [0] : vector<1024x1024xf32> to vector<1024xf32>
    %broadcast_in_dim3A_40 = vector.shape_cast %reduce_min3A_39 : vector<1024xf32> to vector<1x1024xf32>
    %eq3A_41 = vector.broadcast %broadcast_in_dim3A_40 : vector<1x1024xf32> to vector<1024x1024xf32>
    %eq3A_42 = arith.cmpf oeq, %slice3A_37, %eq3A_41 : vector<1024x1024xf32>
    %jit3A_43 = arith.constant 8192 : i32
    %broadcast_in_dim3A_44 = vector.broadcast %jit3A_43 : i32 to vector<1024x1024xi32>
    %select_n3A_45 = arith.select %eq3A_42, %iota3A, %broadcast_in_dim3A_44 : vector<1024x1024xi1>, vector<1024x1024xi32>
    %reduce_min3A_46 = arith.constant dense<2147483647> : vector<1024xi32>
    %reduce_min3A_47 = vector.multi_reduction <minsi>, %select_n3A_45, %reduce_min3A_46 [0] : vector<1024x1024xi32> to vector<1024xi32>
    %broadcast_in_dim3A_48 = vector.shape_cast %reduce_min3A_47 : vector<1024xi32> to vector<1x1024xi32>
    %add3A_49 = arith.constant 1024 : i32
    %add3A_50 = vector.broadcast %add3A_49 : i32 to vector<1x1024xi32>
    %add3A_51 = arith.addi %broadcast_in_dim3A_48, %add3A_50 : vector<1x1024xi32>
    %lt3A_52 = arith.cmpf olt, %broadcast_in_dim3A_40, %select_n3A_35 : vector<1x1024xf32>
    %select_n3A_53 = arith.select %lt3A_52, %broadcast_in_dim3A_40, %select_n3A_35 : vector<1x1024xi1>, vector<1x1024xf32>
    %select_n3A_54 = arith.select %lt3A_52, %add3A_51, %select_n3A_36 : vector<1x1024xi1>, vector<1x1024xi32>
    %slice3A_55 = vector.extract_strided_slice %dot_general3A_21 {offsets = [2048, 0], sizes = [1024, 1024], strides = [1, 1]} : vector<8192x1024xf32> to vector<1024x1024xf32>
    %reduce_min3A_56 = arith.constant dense<0x7F800000> : vector<1024xf32>
    %reduce_min3A_57 = vector.multi_reduction <minimumf>, %slice3A_55, %reduce_min3A_56 [0] : vector<1024x1024xf32> to vector<1024xf32>
    %broadcast_in_dim3A_58 = vector.shape_cast %reduce_min3A_57 : vector<1024xf32> to vector<1x1024xf32>
    %eq3A_59 = vector.broadcast %broadcast_in_dim3A_58 : vector<1x1024xf32> to vector<1024x1024xf32>
    %eq3A_60 = arith.cmpf oeq, %slice3A_55, %eq3A_59 : vector<1024x1024xf32>
    %jit3A_61 = arith.constant 8192 : i32
    %broadcast_in_dim3A_62 = vector.broadcast %jit3A_61 : i32 to vector<1024x1024xi32>
    %select_n3A_63 = arith.select %eq3A_60, %iota3A, %broadcast_in_dim3A_62 : vector<1024x1024xi1>, vector<1024x1024xi32>
    %reduce_min3A_64 = arith.constant dense<2147483647> : vector<1024xi32>
    %reduce_min3A_65 = vector.multi_reduction <minsi>, %select_n3A_63, %reduce_min3A_64 [0] : vector<1024x1024xi32> to vector<1024xi32>
    %broadcast_in_dim3A_66 = vector.shape_cast %reduce_min3A_65 : vector<1024xi32> to vector<1x1024xi32>
    %add3A_67 = arith.constant 2048 : i32
    %add3A_68 = vector.broadcast %add3A_67 : i32 to vector<1x1024xi32>
    %add3A_69 = arith.addi %broadcast_in_dim3A_66, %add3A_68 : vector<1x1024xi32>
    %lt3A_70 = arith.cmpf olt, %broadcast_in_dim3A_58, %select_n3A_53 : vector<1x1024xf32>
    %select_n3A_71 = arith.select %lt3A_70, %broadcast_in_dim3A_58, %select_n3A_53 : vector<1x1024xi1>, vector<1x1024xf32>
    %select_n3A_72 = arith.select %lt3A_70, %add3A_69, %select_n3A_54 : vector<1x1024xi1>, vector<1x1024xi32>
    %slice3A_73 = vector.extract_strided_slice %dot_general3A_21 {offsets = [3072, 0], sizes = [1024, 1024], strides = [1, 1]} : vector<8192x1024xf32> to vector<1024x1024xf32>
    %reduce_min3A_74 = arith.constant dense<0x7F800000> : vector<1024xf32>
    %reduce_min3A_75 = vector.multi_reduction <minimumf>, %slice3A_73, %reduce_min3A_74 [0] : vector<1024x1024xf32> to vector<1024xf32>
    %broadcast_in_dim3A_76 = vector.shape_cast %reduce_min3A_75 : vector<1024xf32> to vector<1x1024xf32>
    %eq3A_77 = vector.broadcast %broadcast_in_dim3A_76 : vector<1x1024xf32> to vector<1024x1024xf32>
    %eq3A_78 = arith.cmpf oeq, %slice3A_73, %eq3A_77 : vector<1024x1024xf32>
    %jit3A_79 = arith.constant 8192 : i32
    %broadcast_in_dim3A_80 = vector.broadcast %jit3A_79 : i32 to vector<1024x1024xi32>
    %select_n3A_81 = arith.select %eq3A_78, %iota3A, %broadcast_in_dim3A_80 : vector<1024x1024xi1>, vector<1024x1024xi32>
    %reduce_min3A_82 = arith.constant dense<2147483647> : vector<1024xi32>
    %reduce_min3A_83 = vector.multi_reduction <minsi>, %select_n3A_81, %reduce_min3A_82 [0] : vector<1024x1024xi32> to vector<1024xi32>
    %broadcast_in_dim3A_84 = vector.shape_cast %reduce_min3A_83 : vector<1024xi32> to vector<1x1024xi32>
    %add3A_85 = arith.constant 3072 : i32
    %add3A_86 = vector.broadcast %add3A_85 : i32 to vector<1x1024xi32>
    %add3A_87 = arith.addi %broadcast_in_dim3A_84, %add3A_86 : vector<1x1024xi32>
    %lt3A_88 = arith.cmpf olt, %broadcast_in_dim3A_76, %select_n3A_71 : vector<1x1024xf32>
    %select_n3A_89 = arith.select %lt3A_88, %broadcast_in_dim3A_76, %select_n3A_71 : vector<1x1024xi1>, vector<1x1024xf32>
    %select_n3A_90 = arith.select %lt3A_88, %add3A_87, %select_n3A_72 : vector<1x1024xi1>, vector<1x1024xi32>
    %slice3A_91 = vector.extract_strided_slice %dot_general3A_21 {offsets = [4096, 0], sizes = [1024, 1024], strides = [1, 1]} : vector<8192x1024xf32> to vector<1024x1024xf32>
    %reduce_min3A_92 = arith.constant dense<0x7F800000> : vector<1024xf32>
    %reduce_min3A_93 = vector.multi_reduction <minimumf>, %slice3A_91, %reduce_min3A_92 [0] : vector<1024x1024xf32> to vector<1024xf32>
    %broadcast_in_dim3A_94 = vector.shape_cast %reduce_min3A_93 : vector<1024xf32> to vector<1x1024xf32>
    %eq3A_95 = vector.broadcast %broadcast_in_dim3A_94 : vector<1x1024xf32> to vector<1024x1024xf32>
    %eq3A_96 = arith.cmpf oeq, %slice3A_91, %eq3A_95 : vector<1024x1024xf32>
    %jit3A_97 = arith.constant 8192 : i32
    %broadcast_in_dim3A_98 = vector.broadcast %jit3A_97 : i32 to vector<1024x1024xi32>
    %select_n3A_99 = arith.select %eq3A_96, %iota3A, %broadcast_in_dim3A_98 : vector<1024x1024xi1>, vector<1024x1024xi32>
    %reduce_min3A_100 = arith.constant dense<2147483647> : vector<1024xi32>
    %reduce_min3A_101 = vector.multi_reduction <minsi>, %select_n3A_99, %reduce_min3A_100 [0] : vector<1024x1024xi32> to vector<1024xi32>
    %broadcast_in_dim3A_102 = vector.shape_cast %reduce_min3A_101 : vector<1024xi32> to vector<1x1024xi32>
    %add3A_103 = arith.constant 4096 : i32
    %add3A_104 = vector.broadcast %add3A_103 : i32 to vector<1x1024xi32>
    %add3A_105 = arith.addi %broadcast_in_dim3A_102, %add3A_104 : vector<1x1024xi32>
    %lt3A_106 = arith.cmpf olt, %broadcast_in_dim3A_94, %select_n3A_89 : vector<1x1024xf32>
    %select_n3A_107 = arith.select %lt3A_106, %broadcast_in_dim3A_94, %select_n3A_89 : vector<1x1024xi1>, vector<1x1024xf32>
    %select_n3A_108 = arith.select %lt3A_106, %add3A_105, %select_n3A_90 : vector<1x1024xi1>, vector<1x1024xi32>
    %slice3A_109 = vector.extract_strided_slice %dot_general3A_21 {offsets = [5120, 0], sizes = [1024, 1024], strides = [1, 1]} : vector<8192x1024xf32> to vector<1024x1024xf32>
    %reduce_min3A_110 = arith.constant dense<0x7F800000> : vector<1024xf32>
    %reduce_min3A_111 = vector.multi_reduction <minimumf>, %slice3A_109, %reduce_min3A_110 [0] : vector<1024x1024xf32> to vector<1024xf32>
    %broadcast_in_dim3A_112 = vector.shape_cast %reduce_min3A_111 : vector<1024xf32> to vector<1x1024xf32>
    %eq3A_113 = vector.broadcast %broadcast_in_dim3A_112 : vector<1x1024xf32> to vector<1024x1024xf32>
    %eq3A_114 = arith.cmpf oeq, %slice3A_109, %eq3A_113 : vector<1024x1024xf32>
    %jit3A_115 = arith.constant 8192 : i32
    %broadcast_in_dim3A_116 = vector.broadcast %jit3A_115 : i32 to vector<1024x1024xi32>
    %select_n3A_117 = arith.select %eq3A_114, %iota3A, %broadcast_in_dim3A_116 : vector<1024x1024xi1>, vector<1024x1024xi32>
    %reduce_min3A_118 = arith.constant dense<2147483647> : vector<1024xi32>
    %reduce_min3A_119 = vector.multi_reduction <minsi>, %select_n3A_117, %reduce_min3A_118 [0] : vector<1024x1024xi32> to vector<1024xi32>
    %broadcast_in_dim3A_120 = vector.shape_cast %reduce_min3A_119 : vector<1024xi32> to vector<1x1024xi32>
    %add3A_121 = arith.constant 5120 : i32
    %add3A_122 = vector.broadcast %add3A_121 : i32 to vector<1x1024xi32>
    %add3A_123 = arith.addi %broadcast_in_dim3A_120, %add3A_122 : vector<1x1024xi32>
    %lt3A_124 = arith.cmpf olt, %broadcast_in_dim3A_112, %select_n3A_107 : vector<1x1024xf32>
    %select_n3A_125 = arith.select %lt3A_124, %broadcast_in_dim3A_112, %select_n3A_107 : vector<1x1024xi1>, vector<1x1024xf32>
    %select_n3A_126 = arith.select %lt3A_124, %add3A_123, %select_n3A_108 : vector<1x1024xi1>, vector<1x1024xi32>
    %slice3A_127 = vector.extract_strided_slice %dot_general3A_21 {offsets = [6144, 0], sizes = [1024, 1024], strides = [1, 1]} : vector<8192x1024xf32> to vector<1024x1024xf32>
    %reduce_min3A_128 = arith.constant dense<0x7F800000> : vector<1024xf32>
    %reduce_min3A_129 = vector.multi_reduction <minimumf>, %slice3A_127, %reduce_min3A_128 [0] : vector<1024x1024xf32> to vector<1024xf32>
    %broadcast_in_dim3A_130 = vector.shape_cast %reduce_min3A_129 : vector<1024xf32> to vector<1x1024xf32>
    %eq3A_131 = vector.broadcast %broadcast_in_dim3A_130 : vector<1x1024xf32> to vector<1024x1024xf32>
    %eq3A_132 = arith.cmpf oeq, %slice3A_127, %eq3A_131 : vector<1024x1024xf32>
    %jit3A_133 = arith.constant 8192 : i32
    %broadcast_in_dim3A_134 = vector.broadcast %jit3A_133 : i32 to vector<1024x1024xi32>
    %select_n3A_135 = arith.select %eq3A_132, %iota3A, %broadcast_in_dim3A_134 : vector<1024x1024xi1>, vector<1024x1024xi32>
    %reduce_min3A_136 = arith.constant dense<2147483647> : vector<1024xi32>
    %reduce_min3A_137 = vector.multi_reduction <minsi>, %select_n3A_135, %reduce_min3A_136 [0] : vector<1024x1024xi32> to vector<1024xi32>
    %broadcast_in_dim3A_138 = vector.shape_cast %reduce_min3A_137 : vector<1024xi32> to vector<1x1024xi32>
    %add3A_139 = arith.constant 6144 : i32
    %add3A_140 = vector.broadcast %add3A_139 : i32 to vector<1x1024xi32>
    %add3A_141 = arith.addi %broadcast_in_dim3A_138, %add3A_140 : vector<1x1024xi32>
    %lt3A_142 = arith.cmpf olt, %broadcast_in_dim3A_130, %select_n3A_125 : vector<1x1024xf32>
    %select_n3A_143 = arith.select %lt3A_142, %broadcast_in_dim3A_130, %select_n3A_125 : vector<1x1024xi1>, vector<1x1024xf32>
    %select_n3A_144 = arith.select %lt3A_142, %add3A_141, %select_n3A_126 : vector<1x1024xi1>, vector<1x1024xi32>
    %slice3A_145 = vector.extract_strided_slice %dot_general3A_21 {offsets = [7168, 0], sizes = [1024, 1024], strides = [1, 1]} : vector<8192x1024xf32> to vector<1024x1024xf32>
    %reduce_min3A_146 = arith.constant dense<0x7F800000> : vector<1024xf32>
    %reduce_min3A_147 = vector.multi_reduction <minimumf>, %slice3A_145, %reduce_min3A_146 [0] : vector<1024x1024xf32> to vector<1024xf32>
    %broadcast_in_dim3A_148 = vector.shape_cast %reduce_min3A_147 : vector<1024xf32> to vector<1x1024xf32>
    %eq3A_149 = vector.broadcast %broadcast_in_dim3A_148 : vector<1x1024xf32> to vector<1024x1024xf32>
    %eq3A_150 = arith.cmpf oeq, %slice3A_145, %eq3A_149 : vector<1024x1024xf32>
    %jit3A_151 = arith.constant 8192 : i32
    %broadcast_in_dim3A_152 = vector.broadcast %jit3A_151 : i32 to vector<1024x1024xi32>
    %select_n3A_153 = arith.select %eq3A_150, %iota3A, %broadcast_in_dim3A_152 : vector<1024x1024xi1>, vector<1024x1024xi32>
    %reduce_min3A_154 = arith.constant dense<2147483647> : vector<1024xi32>
    %reduce_min3A_155 = vector.multi_reduction <minsi>, %select_n3A_153, %reduce_min3A_154 [0] : vector<1024x1024xi32> to vector<1024xi32>
    %broadcast_in_dim3A_156 = vector.shape_cast %reduce_min3A_155 : vector<1024xi32> to vector<1x1024xi32>
    %add3A_157 = arith.constant 7168 : i32
    %add3A_158 = vector.broadcast %add3A_157 : i32 to vector<1x1024xi32>
    %add3A_159 = arith.addi %broadcast_in_dim3A_156, %add3A_158 : vector<1x1024xi32>
    %lt3A_160 = arith.cmpf olt, %broadcast_in_dim3A_148, %select_n3A_143 : vector<1x1024xf32>
    %select_n3A_161 = arith.select %lt3A_160, %add3A_159, %select_n3A_144 : vector<1x1024xi1>, vector<1x1024xi32>
    %swap3A = arith.constant 0 : index
    %swap3A_162 = arith.constant 0 : index
    %swap3A_163 = vector.load %arg2[%swap3A, %swap3A_162] : memref<1x1024xi32, #tpu.memory_space<vmem>>, vector<1x1024xi32>
    tpu.vector_store %arg2[%swap3A, %swap3A_162], %select_n3A_161 {strides = array<i32>} : memref<1x1024xi32, #tpu.memory_space<vmem>>, vector<1x1024xi32>,
    return
  }
}

</mosaic_0001>

<sc_bundles>
// kernel: kernel.4.cloned.1.call-start
scs
__scs_entry_jumppad:
0x0: {  	(pc) =	sbr.rel $0x88, $3  }
0x1: {  	(tag) =	ssettag $0x0;
	lr =	simm.s32 $0x1  }
0x2: {  	[smem:$0x3F9E] =	sst lr;
	_ =	strace $0xD0000000  }
0x3: {  	_ = 	snop  }
0x4: {  	_ = 	snop  }
0x5: {  	_ = 	snop  }
0x6: {  	_ = 	snop  }
0x7: {  	_ = 	snop  }
__scs_overlays_trampoline_lowered:
0x8: {  	[smem:$0x3FAD] =	sst s0  }
0x9: {  	[smem:$0x3FAE] =	sst s1  }
0xa: {  	[smem:$0x3FAF] =	sst s2  }
0xb: {  	[smem:$0x3FB0] =	sst s3  }
0xc: {  	[smem:$0x3FB1] =	sst s4  }
0xd: {  	[smem:$0x3FB2] =	sst s5  }
0xe: {  	[smem:$0x3FB3] =	sst s6  }
0xf: {  	[smem:$0x3FB4] =	sst s7  }
0x10: {  	[smem:$0x3FB5] =	sst s8  }
0x11: {  	[smem:$0x3FB6] =	sst s9;
	s0 =	simm.s32 @!p0 $0x0  }
0x12: {  	s1 =	sld [smem:$0x3F9C];
	s0 =	simm.s32 @p0 $0x1  }
0x13: {  	[smem:$0x3FB7] =	sst s0;
	s0 =	simm.s32 @!p1 $0x0  }
0x14: {  	s2 =	sld [smem:$0x3F9B];
	s0 =	simm.s32 @p1 $0x1  }
0x15: {  	[smem:$0x3FB8] =	sst s0;
	s0 =	simm.s32 @!p2 $0x0  }
0x16: {  	s3 =	sld [smem:$0x3FDB];
	s0 =	simm.s32 @p2 $0x1  }
0x17: {  	s4 =	simm.s32 $0x1BF5;
	[smem:$0x3FBA] =	sst s0  }
0x18: {  	s0 =	sld [smem:$0x3F9D];
	_ =	swait.ge [sflag:s4], $0x0  }
0x19: {  	s7 =	sld [smem:$0x3F9E]  }
0x1a: {  	s8 =	sadd.s32 $0xFFFFE003, lr  }
0x1b: {  	s9 =	sadd.s32 $0xFFFFFEF7, lr;
	s5 =	simm.s32 $0xFFFFFFFF;
	p2 =	slt.u32 s8, $0xFFFFF086  }
0x1c: {  	p1 =	slt.u32 s9, $0xF7A;
	s5 =	simm.s32 @!p2 $0x0  }
0x1d: {  	s5 =	simm.s32 @p1 $0x1;
	p0 =	seq.s32 s7, s2  }
0x1e: {  	s7 =	smul.u32 @!p0 $0xF7A, s2;
	p2 =	seq.s32 @!p0 s5, $0x0  }
0x1f: {  	s9 =	smul.u32 $0xF7A, s1;
	s8 =	simm.s32 @!p0 $0x1BF5;
	p2 =	por !p2, p0  }
0x20: {  	[sflag:s8] =	ssyncset.s32 @!p0 $0xFFFFF086;
	s6 =	sadd.s32 @!p0 s3, s7;
	s7 =	simm.s32 @!p0 $0x108  }
0x21: {  	s3 =	sadd.s32 s3, s9;
	s6 =	sadd.s32 @!p0 $0x88, s6;
	s7 =	simm.s32 @p2 $0x1082  }
0x22: {  	[simem:s7], [sflag:s8] =	dma.local @!p0 [hbm:s6], $0xF7A  }
0x23: {  	s9 =	sor.u32 $0xD0000000, s2;
	s6 =	simm.s32 $0x108;
	_ =	swait.ge @!p0 [sflag:s8], $0x0  }
0x24: {  	s3 =	sadd.s32 $0x88, s3;
	s6 =	simm.s32 @!p1 $0x1082;
	[sflag:s4] =	ssyncset.s32 $0xFFFFF086  }
0x25: {  	[simem:s6], [sflag:s4] =	dma.local [hbm:s3], $0xF7A  }
0x26: {  	[smem:$0x3F9E] =	sst s1;
	(tag) =	ssettag s2;
	_ =	strace s9  }
0x27: {  	s1 =	sld [smem:$0x3FAE]  }
0x28: {  	s2 =	sld [smem:$0x3FAF]  }
0x29: {  	s4 =	sld [smem:$0x3FB1]  }
0x2a: {  	p0 =	seq.s32 s5, $0x0;
	s5 =	sld [smem:$0x3FB2]  }
0x2b: {  	s6 =	sld [smem:$0x3FB3]  }
0x2c: {  	s7 =	sld [smem:$0x3FB4]  }
0x2d: {  	s3 =	simm.s32 $0x108;
	s8 =	sld [smem:$0x3FB5]  }
0x2e: {  	s3 =	simm.s32 @!p0 $0x1082;
	s9 =	sld [smem:$0x3FB6]  }
0x2f: {  	lr =	sadd.s32 s0, s3;
	s0 =	sld [smem:$0x3FAD]  }
0x30: {  	s3 =	sld [smem:$0x3FB0]  }
0x31: {  	[smem:$0x3FB9] =	sst s10  }
0x32: {  	s10 =	sld [smem:$0x3FB7];
	_ =	sdelay $0x3  }
0x33: {  	p0 =	seq.s32 s10, $0x1;
	s10 =	sld [smem:$0x3FB9];
	_ =	sdelay $0x3  }
0x34: {  	[smem:$0x3FB9] =	sst s10  }
0x35: {  	s10 =	sld [smem:$0x3FB8];
	_ =	sdelay $0x3  }
0x36: {  	p1 =	seq.s32 s10, $0x1;
	s10 =	sld [smem:$0x3FB9];
	_ =	sdelay $0x3  }
0x37: {  	[smem:$0x3FB9] =	sst s10  }
0x38: {  	s10 =	sld [smem:$0x3FBA]  }
0x39: {  	_ = 	snop;
	(pc) =	sbr.ind lr, $3  }
0x3a: {  	_ = 	snop  }
0x3b: {  	_ = 	snop  }
0x3c: {  	p2 =	seq.s32 s10, $0x1;
	s10 =	sld [smem:$0x3FB9]  }
0x3d: {  	_ =	shalt  }
0x3e: {  	_ =	shalt  }
0x3f: {  	_ =	shalt  }
0x40: {  	_ =	shalt  }
0x41: {  	_ =	shalt  }
0x42: {  	_ =	shalt  }
0x43: {  	_ =	shalt  }
0x44: {  	_ =	shalt  }
0x45: {  	_ =	shalt  }
0x46: {  	_ =	shalt  }
0x47: {  	_ =	shalt  }
0x48: {  	_ =	shalt  }
0x49: {  	_ =	shalt  }
0x4a: {  	_ =	shalt  }
0x4b: {  	_ =	shalt  }
0x4c: {  	_ =	shalt  }
0x4d: {  	_ =	shalt  }
0x4e: {  	_ =	shalt  }
0x4f: {  	_ =	shalt  }
0x50: {  	_ =	shalt  }
0x51: {  	_ =	shalt  }
0x52: {  	_ =	shalt  }
0x53: {  	_ =	shalt  }
0x54: {  	_ =	shalt  }
0x55: {  	_ =	shalt  }
0x56: {  	_ =	shalt  }
0x57: {  	_ =	shalt  }
0x58: {  	_ =	shalt  }
0x59: {  	_ =	shalt  }
0x5a: {  	_ =	shalt  }
0x5b: {  	_ =	shalt  }
0x5c: {  	_ =	shalt  }
0x5d: {  	_ =	shalt  }
0x5e: {  	_ =	shalt  }
0x5f: {  	_ =	shalt  }
0x60: {  	_ =	shalt  }
0x61: {  	_ =	shalt  }
0x62: {  	_ =	shalt  }
0x63: {  	_ =	shalt  }
0x64: {  	_ =	shalt  }
0x65: {  	_ =	shalt  }
0x66: {  	_ =	shalt  }
0x67: {  	_ =	shalt  }
0x68: {  	_ =	shalt  }
0x69: {  	_ =	shalt  }
0x6a: {  	_ =	shalt  }
0x6b: {  	_ =	shalt  }
0x6c: {  	_ =	shalt  }
0x6d: {  	_ =	shalt  }
0x6e: {  	_ =	shalt  }
0x6f: {  	_ =	shalt  }
0x70: {  	_ =	shalt  }
0x71: {  	_ =	shalt  }
0x72: {  	_ =	shalt  }
0x73: {  	_ =	shalt  }
0x74: {  	_ =	shalt  }
0x75: {  	_ =	shalt  }
0x76: {  	_ =	shalt  }
0x77: {  	_ =	shalt  }
0x78: {  	_ =	shalt  }
0x79: {  	_ =	shalt  }
0x7a: {  	_ =	shalt  }
0x7b: {  	_ =	shalt  }
0x7c: {  	_ =	shalt  }
0x7d: {  	_ =	shalt  }
0x7e: {  	_ =	shalt  }
0x7f: {  	_ =	shalt  }
0x80: {  	_ =	shalt  }
0x81: {  	_ =	shalt  }
0x82: {  	_ =	shalt  }
0x83: {  	_ =	shalt  }
0x84: {  	_ =	shalt  }
0x85: {  	_ =	shalt  }
0x86: {  	_ =	shalt  }
0x87: {  	_ =	shalt  }
.Lfunc_end0:
.L_simem_size_0:
called_computation_lowered:
.L_overlay_start_0:
0x88: {  	s2 =	sld [smem:$0x3FD9]  }
0x89: {  	s3 =	sld [smem:$0x3FFE];
	_ =	sdelay $0x1  }
0x8a: {  	s1 =	srdreg.scid  }
0x8b: {  	s0 =	sand.u32 $0x1, s1  }
0x8c: {  	s17 =	sshll.u32 s0, $0xA;
	s2 =	sadd.s32 s3, s2  }
0x8d: {  	s2 =	sadd.s32 s2, s17  }
0x8e: {  	[smem:$0x3FC5] =	sst s2  }
0x8f: {  	_ = 	snop  }
0x90: {  	s2 =	sld [smem:$0x3FD0];
	(tm) =	ssettm $0x1  }
0x91: {  	s18 =	sld [smem:$0x3FFB];
	_ =	sdelay $0x3  }
0x92: {  	_ =	strace s18  }
0x93: {  	s3 =	sld [smem:$0x3FFC];
	_ =	sdelay $0x3  }
0x94: {  	_ =	strace s3  }
0x95: {  	s3 =	sld [smem:$0x3FFD];
	_ =	sdelay $0x3  }
0x96: {  	_ =	strace s3  }
0x97: {  	_ =	strace $0x8FFFFFFF  }
0x98: {  	s19 =	sld [smem:$0x3FDB];
	_ =	sdelay $0x1  }
0x99: {  	s4 =	simm.s32 $_scs_section_size  }
0x9a: {  	s5 =	simm.s32 $_size__tile_overlayer_lowered;
	s6 =	simm.s32 $_tile_overlayer_lowered  }
0x9b: {  	s22 =	simm.s32 $0x1BFF;
	s21 =	sshll.u32 s6, $0x1;
	s3 =	sadd.s32 s4, s19  }
0x9c: {  	s7 =	simm.s32 $0x0;
	s20 =	sshll.u32 s5, $0x1;
	s5 =	sadd.s32 s21, s3  }
0x9d: {  	[timem:s7], [sflag:s22] =	dma.local [hbm:s5], s20  }
0x9e: {  	_ =	swait.ge [sflag:s22], s20  }
0x9f: {  	s4 =	ssub.s32 $0x0, s20;
	[sflag:s22] =	ssyncset.done $0x0  }
0xa0: {  	[sflag:s22] =	ssyncadd.s32 s4;
	_ =	sdelay $0x1  }
0xa1: {  	s23 =	simm.s32 $0x1B8B  }
0xa2: {  	_ =	swait.ge [sflag:s23], $0x1  }
0xa3: {  	[sflag:s23] =	ssyncset.done $0x0  }
0xa4: {  	s25 =	simm.s32 $0x1B8E;
	s24 =	sld [smem:$0x3FFE];
	[sflag:s23] =	ssyncadd.s32 $0xFFFFFFFF  }
0xa5: {  	s26 =	simm.s32 $execute0_lowered;
	[smem:$0x3FD2] =	sst s25  }
0xa6: {  	s5 =	sshll.u32 s26, $0x1;
	_ =	strace $0x80000046;
	[dreg:$0x1] =	wrdreg $0xFFFFFFFF  }
0xa7: {  	s28 =	simm.s32 $_size_execute0_lowered;
	s3 =	sadd.s32 s3, s5;
	[dreg:$0x0] =	wrdreg $0x0  }
0xa8: {  	s5 =	sshll.u32 s28, $0x1;
	[dreg:$0x2] =	wrdreg s3  }
0xa9: {  	[dreg:$0x3] =	wrdreg s5  }
0xaa: {  	[dreg:$0x4] =	wrdreg $0xC0  }
0xab: {  	_ =	task [dreg:s7], $0x5FFFF  }
0xac: {  	[dreg:$0x1] =	wrdreg $0xFFFFFFFF  }
0xad: {  	[dreg:$0x0] =	wrdreg $0x60  }
0xae: {  	[dreg:$0x2] =	wrdreg s24  }
0xaf: {  	[dreg:$0x3] =	wrdreg s2  }
0xb0: {  	[dreg:$0x4] =	wrdreg $0x9  }
0xb1: {  	_ =	task.clear_ibuf [dreg:s7], $0x5FFFF;
	_ =	strace $0x90000046  }
0xb2: {  	s29 =	simm.s32 $0x9;
	_ =	strace $0x80000048  }
0xb3: {  	_ =	swait.ge [sflag:s29], $0x1  }
0xb4: {  	[sflag:s29] =	ssyncadd.s32 $0xFFFFFFFF  }
0xb5: {  	_ =	strace $0x90000048  }
0xb6: {  	_ =	sfence  }
0xb7: {  	s30 =	sld [smem:$0x0];
	_ =	sdelay $0x2  }
0xb8: {  	s31 =	sshll.u32 s1, $0xD;
	s1 =	sshrl.u32 s1, $0x2  }
0xb9: {  	s3 =	sand.u32 $0x4000, s31;
	s1 =	sadd.s32 s1, s30  }
0xba: {  	s0 =	sor.u32 s3, s0;
	s1 =	sshll.u32 s1, $0x11  }
0xbb: {  	s0 =	sor.u32 s1, s0  }
0xbc: {  	s0 =	sadd.s32 $0x8F2B, s0  }
0xbd: {  	[sflag:s0] =	ssyncadd.remote.s32 $0x1  }
0xbe: {  	_ =	sfence.sel $0xFFFF  }
0xbf: {  	[dreg:$0x0] =	wrdreg $0xFFFFFFFF;
	(pc) =	sbr.abs _section_cstart, $3  }
0xc0: {  	[dreg:$0x1] =	wrdreg $0xFFFFFFFF  }
0xc1: {  	_ =	task.clear_ibuf [dreg:s7], $0x2FFFF;
	_ =	strace $0x9FFFFFFF  }
0xc2: {  	(tm) =	ssettm $0x7FFFFFFF  }
0xc3: {  	_ =	shalt  }
tec
execute0_lowered:
.L_overlay_start_1:
0x0: {  	(tag) =	ssettag $0x1  }
0x1: {  	s1 =	srdreg.scid  }
0x2: {  	s0 =	stileid.u32;
	s6 =	sand.u32 $0x1, s1  }
0x3: {  	s5 =	rddreg [dreg:$0x0];
	s30 =	sshll.u32 s0, $0x6;
	s2 =	sshll.u32 s6, $0x5  }
0x4: {  	s8 =	rddreg [dreg:$0x1];
	s9 =	sor.u32 s2, s30  }
0x5: {  	s1 =	rddreg [dreg:$0x2];
	s2 =	simm.s32 $0x0;
	s3 =	sshrl.u32 s9, $0x3  }
0x6: {  	s10 =	ssub.s32 $0x2, s6;
	[smem:$0x7FF] =	sst s2;
	s3 =	sadd.s32 s3, s5  }
0x7: {  	_ =	strace $0x80000047;
	s4 =	sadd.s32 $0x8800, s3;
	s3 =	simm.s32 $0x2  }
0x8: {  	[tilespmem:s2], [sflag:$0x2] =	stream.linear.gather [hbm4b:s4+s2], $0x20, $0x38;
	[tilespmem:$0x420] =	vst v63  }
0x9: {  	s7 =	simm.s32 $0x1;
	s11 =	sshrl.u32 s10, $0x1;
	_ =	swait.ge [sflag:s3], $0x20  }
0xa: {  	s6 =	simm.s32 $0x20;
	s10 =	ssub.s32 s10, s11;
	[sflag:s3] =	ssyncset.done $0x0  }
0xb: {  	s5 =	sadd.s32 $0x800, s5;
	s31 =	smax.u32 s10, $0x1;
	[sflag:s3] =	ssyncadd.s32 $0xFFFFFFE0  }
0xc: {  	[tilespmem:s6], [sflag:$0x1] =	stream.indirect.gather [hbm4b:s5+s6], $0x20, s2, s6, $0xb8;
	[tilespmem:$0x420] =	vst v63  }
0xd: {  	p0 =	sne.s32 s31, $0x1;
	_ =	swait.ge [sflag:s7], $0x400  }
.Ltmp0:
0xe: {  	s9 =	sshll.u32 s9, $0x2;
	[sflag:s7] =	ssyncset.done $0x0;
	(pc) =	sbr.rel @!p0 .LBB2_2-.Ltmp0, $4  }
0xf: {  	s8 =	sadd.s32 s8, s9;
	[sflag:s7] =	ssyncadd.s32 $0xFFFFFC00  }
0x10: {  	[hbm4b:s8+s2] =	stream.linear.scatter [tilespmem:s6], [sflag:$0x2], $0x400, $0x38;
	[tilespmem:$0x420] =	vst v63  }
0x11: {  	_ =	swait.ge [sflag:s3], $0x400  }
0x12: {  	s9 =	sadd.s32 $0xFFFFFFFF, s31;
	[sflag:s3] =	ssyncset.done $0x0  }
.LBB2_1:
0x13: {  	p0 =	sne.s32 s9, $0x1;
	s9 =	sadd.s32 $0xFFFFFFFF, s9;
	[sflag:s3] =	ssyncadd.s32 $0xFFFFFC00  }
0x14: {  	[tilespmem:s2], [sflag:$0x2] =	stream.linear.gather [hbm4b:s4+s2], $0x20, $0x38;
	[tilespmem:$0x420] =	vst v63  }
0x15: {  	_ =	swait.ge [sflag:s3], $0x20  }
0x16: {  	[sflag:s3] =	ssyncset.done $0x0  }
0x17: {  	[sflag:s3] =	ssyncadd.s32 $0xFFFFFFE0  }
0x18: {  	[tilespmem:s6], [sflag:$0x1] =	stream.indirect.gather [hbm4b:s5+s6], $0x20, s2, s6, $0xb8;
	[tilespmem:$0x420] =	vst v63  }
0x19: {  	_ =	swait.ge [sflag:s7], $0x400  }
.Ltmp1:
0x1a: {  	[sflag:s7] =	ssyncset.done $0x0;
	(pc) =	sbr.rel @p0 .LBB2_1-.Ltmp1, $4  }
0x1b: {  	[sflag:s7] =	ssyncadd.s32 $0xFFFFFC00  }
0x1c: {  	[hbm4b:s8+s2] =	stream.linear.scatter [tilespmem:s6], [sflag:$0x2], $0x400, $0x38;
	[tilespmem:$0x420] =	vst v63  }
0x1d: {  	_ =	swait.ge [sflag:s3], $0x400  }
0x1e: {  	[sflag:s3] =	ssyncset.done $0x0  }
.LBB2_2:
0x1f: {  	[sflag:s3] =	ssyncadd.s32 $0xFFFFFC00  }
0x20: {  	_ =	sfence.sel $0x180000  }
0x21: {  	[bflag:$0x0] =	sbarrier.arrive $0xFFFF  }
0x22: {  	p0 =	sne.s32 s0, $0x0;
	_ =	strace $0x90000047  }
0x23: {  	s0 =	sadd.s32 @!p0 $0x100000, s1;
	[bflag:$0x2] =	sbarrier.arrive $0xFFFF  }
0x24: {  	[sflag:s0] =	ssyncadd.tile.s32 @!p0 $0x1;
	_ =	shalt  }
.Lfunc_end2:
_tile_overlayer_lowered:
.L_overlay_start_2:
0x25: {  	(tag) =	ssettag $0x2  }
0x26: {  	s0 =	rddreg [dreg:$0x0];
	s2 =	stileid.u32  }
0x27: {  	s1 =	rddreg [dreg:$0x1];
	p0 =	sne.s32 s2, $0x0  }
0x28: {  	s3 =	rddreg [dreg:$0x2];
	[bflag:$0x3] =	sbarrier.arrive $0xFFFF;
	s2 =	simm.s32 @!p0 $0x1C02  }
0x29: {  	[timem:s3], [sflag:s2] =	dma.local @!p0 [hbm:s0], s1  }
0x2a: {  	s0 =	simm.s32 @!p0 $0x2  }
0x2b: {  	_ =	swait.ge @!p0 [sflag:s0], s1  }
0x2c: {  	s1 =	ssub.s32 @!p0 $0x0, s1;
	[sflag:s0] =	ssyncset.done @!p0 $0x0  }
0x2d: {  	[sflag:s0] =	ssyncadd.s32 @!p0 s1  }
0x2e: {  	[bflag:$0x3] =	sbarrier.arrive $0xFFFF  }
0x2f: {  	_ =	shalt  }

</sc_bundles>
